<compile_context>
chip_gen: v7x
topology: tpu7x:2x2x1
jax: 0.10.2.dev20260603
libtpu: 0.0.44.dev20260713+nightly
codegen_flags: <defaults>
</compile_context>

<pallas_src>
import functools

import jax
import jax.numpy as jnp
from jax import lax
from jax.experimental import pallas as pl
from jax.experimental.pallas import tpu as pltpu
from jax.experimental.pallas import tpu_sc as plsc

EMBED_DIM = 64
OUT_DIM = 1280

NUM_CORES = 2
NUM_SUBCORES = 16
NW = NUM_CORES * NUM_SUBCORES
CHUNK = 128
GPB = 4
MACRO = CHUNK * GPB


def _sc_gather(table, idx3):
  n_chunks = idx3.shape[1]
  b_per_w = n_chunks * CHUNK
  total = NW * b_per_w
  n_macro = b_per_w // MACRO
  assert n_macro % 2 == 0 and n_chunks % GPB == 0
  n2 = n_macro // 2
  mesh = plsc.VectorSubcoreMesh(core_axis_name="c", subcore_axis_name="s")

  @functools.partial(
      pl.kernel,
      out_type=jax.ShapeDtypeStruct((total, EMBED_DIM), jnp.float32),
      mesh=mesh,
      scratch_types=[
          pltpu.VMEM((n_chunks, CHUNK), jnp.int32),
          pltpu.VMEM((MACRO, EMBED_DIM), jnp.float32),
          pltpu.VMEM((MACRO, EMBED_DIM), jnp.float32),
          pltpu.SemaphoreType.DMA,
          pltpu.SemaphoreType.DMA,
          pltpu.SemaphoreType.DMA,
          pltpu.SemaphoreType.DMA,
      ],
      compiler_params=pltpu.CompilerParams(use_tc_tiling_on_sc=False),
  )
  def gather_kernel(table_hbm, idx_hbm, out_hbm, idx_v, s0, s1, g0, g1, w0, w1):
    wid = lax.axis_index("s") * NUM_CORES + lax.axis_index("c")
    base_w = wid * b_per_w
    dummy = out_hbm.at[pl.ds(0, MACRO)]
    pltpu.sync_copy(idx_hbm.at[wid], idx_v)

    for k in range(GPB):
      pltpu.async_copy(table_hbm.at[idx_v.at[k]], s0.at[pl.ds(k * CHUNK, CHUNK)], g0)

    def body(i, carry):
      m0 = 2 * i
      m1 = m0 + 1

      @pl.when(i > 0)
      def _():
        pltpu.make_async_copy(s1, dummy, w1).wait()

      for k in range(GPB):
        pltpu.async_copy(
            table_hbm.at[idx_v.at[m1 * GPB + k]],
            s1.at[pl.ds(k * CHUNK, CHUNK)], g1)

      pltpu.make_async_copy(dummy, s0, g0).wait()
      pltpu.async_copy(s0, out_hbm.at[pl.ds(base_w + m0 * MACRO, MACRO)], w0)

      @pl.when(i < n2 - 1)
      def _():
        pltpu.make_async_copy(s0, dummy, w0).wait()
        for k in range(GPB):
          pltpu.async_copy(
              table_hbm.at[idx_v.at[(m0 + 2) * GPB + k]],
              s0.at[pl.ds(k * CHUNK, CHUNK)], g0)

      pltpu.make_async_copy(dummy, s1, g1).wait()
      pltpu.async_copy(s1, out_hbm.at[pl.ds(base_w + m1 * MACRO, MACRO)], w1)
      return carry

    lax.fori_loop(0, n2, body, 0)
    pltpu.make_async_copy(s0, dummy, w0).wait()
    pltpu.make_async_copy(s1, dummy, w1).wait()

  return gather_kernel(table, idx3)


def _mm_body(a_ref, w_ref, b_ref, o_ref):
  o_ref[...] = (
      jnp.dot(a_ref[...], w_ref[...], preferred_element_type=jnp.float32)
      + b_ref[...]
  )


def _tc_matmul(a, w, b, block_m):
  m = a.shape[0]
  return pl.pallas_call(
      _mm_body,
      grid=(m // block_m,),
      in_specs=[
          pl.BlockSpec((block_m, EMBED_DIM), lambda i: (i, 0)),
          pl.BlockSpec((EMBED_DIM, OUT_DIM), lambda i: (0, 0)),
          pl.BlockSpec((1, OUT_DIM), lambda i: (0, 0)),
      ],
      out_specs=pl.BlockSpec((block_m, OUT_DIM), lambda i: (i, 0)),
      out_shape=jax.ShapeDtypeStruct((m, OUT_DIM), jnp.float32),
      compiler_params=pltpu.CompilerParams(
          dimension_semantics=("arbitrary",),
      ),
  )(a, w, b.reshape(1, OUT_DIM))


def kernel(x, emb_table, fc_w, fc_b):
  batch, hist = x.shape
  flat = x.reshape(-1).astype(jnp.int32)
  idx3 = flat.reshape(NW, -1, CHUNK)
  gathered = _sc_gather(emb_table, idx3)
  out = _tc_matmul(gathered, fc_w, fc_b, block_m=1024)
  return out.reshape(batch, hist, OUT_DIM)

# --- scband reference (transcript-rebuilt; emitter-appended) ---
"""Pipeline reference for scband-embedding-pretrained-model-39230231281681 (READ-ONLY COPY).

The authoritative reference and input builder live on the scoring server;
editing this copy changes nothing except your own understanding.
"""

import jax, jax.numpy as jnp
import numpy as np

VOCAB = 1000000
EMBED_DIM = 64
OUT_DIM = 1280
BATCH = 4096
HIST = 200

def setup_inputs(seed: int = 0) -> dict:
    key = jax.random.key(seed)
    k_idx, k_emb, k_w, k_b = jax.random.split(key, 4)
    x = jax.random.randint(k_idx, (BATCH, HIST), 0, VOCAB, dtype=jnp.int64 if jax.config.jax_enable_x64 else jnp.int32)
    # embedding table, initialized like nn.Embedding (N(0,1))
    emb_table = jax.random.normal(k_emb, (VOCAB, EMBED_DIM), dtype=jnp.float32)
    # linear layer, initialized like nn.Linear (uniform(-1/sqrt(fan_in), 1/sqrt(fan_in)))
    bound = 1.0 / np.sqrt(EMBED_DIM)
    fc_w = jax.random.uniform(k_w, (EMBED_DIM, OUT_DIM), dtype=jnp.float32, minval=-bound, maxval=bound)
    fc_b = jax.random.uniform(k_b, (OUT_DIM,), dtype=jnp.float32, minval=-bound, maxval=bound)
    return {"x": x, "emb_table": emb_table, "fc_w": fc_w, "fc_b": fc_b}

def reference(x, emb_table, fc_w, fc_b):
    # x = self.embedding(x)
    h = jnp.take(emb_table, x, axis=0)  # [B, L, D]
    # x = self.fc(x)
    out = jnp.dot(h, fc_w) + fc_b       # [B, L, 1280]
    return out

if __name__ == "__main__":
    import jax
    _d = setup_inputs()
    print(jax.jit(kernel)(*tuple(_d.values())))

</pallas_src>

<mosaic_0001>
#map = affine_map<(d0, d1) -> (0, 0)>
#map1 = affine_map<(d0, d1) -> (0, 0, 0)>
module attributes {stable_mosaic.version = 14 : i64} {
  func.func @gather_kernel(%arg0: i32, %arg1: i32, %arg2: memref<1000000x64xf32, #tpu.memory_space<hbm>>, %arg3: memref<32x200x128xi32, #tpu.memory_space<hbm>>, %arg4: memref<819200x64xf32, #tpu.memory_space<hbm>>, %arg5: memref<200x128xi32, #tpu.memory_space<vmem>>, %arg6: memref<512x64xf32, #tpu.memory_space<vmem>>, %arg7: memref<512x64xf32, #tpu.memory_space<vmem>>, %arg8: memref<!tpu.dma_semaphore, #tpu.memory_space<semaphore_mem>>, %arg9: memref<!tpu.dma_semaphore, #tpu.memory_space<semaphore_mem>>, %arg10: memref<!tpu.dma_semaphore, #tpu.memory_space<semaphore_mem>>, %arg11: memref<!tpu.dma_semaphore, #tpu.memory_space<semaphore_mem>>) attributes {dimension_semantics = [#tpu.dimension_semantics<core_parallel>, #tpu.dimension_semantics<subcore_parallel>], iteration_bounds = array<i64: 2, 16>, scalar_prefetch = 0 : i64, scratch_operands = 7 : i64, tpu.core_type = #tpu.core_type<sc_vector_subcore>, window_params = [{transform_indices = #map}, {transform_indices = #map1}, {transform_indices = #map}]} {
    %mul3A = arith.constant 2 : i32
    %mul3A_0 = arith.muli %arg1, %mul3A : i32
    %add3A = arith.addi %mul3A_0, %arg0 : i32
    %mul3A_1 = arith.constant 25600 : i32
    %mul3A_2 = arith.muli %add3A, %mul3A_1 : i32
    "tpu.region"() ({
      %run_scoped3A = tpu.sem_alloc : memref<!tpu.dma_semaphore, #tpu.memory_space<semaphore_mem>>
      %dma_start3A_58 = arith.constant 0 : i32
      %dma_start3A_59 = arith.constant 0 : i32
      %dma_start3A_60 = tpu.memref_slice %arg3[%add3A, %dma_start3A_58, %dma_start3A_59] : memref<32x200x128xi32, #tpu.memory_space<hbm>> -> memref<1x200x128xi32, #tpu.memory_space<hbm>>
      %dma_start3A_61 = tpu.memref_squeeze %dma_start3A_60 : memref<1x200x128xi32, #tpu.memory_space<hbm>> -> memref<200x128xi32, #tpu.memory_space<hbm>>
      %dma_start3A_62 = arith.constant 0 : i32
      %dma_start3A_63 = arith.constant 0 : i32
      %dma_start3A_64 = tpu.memref_slice %arg3[%add3A, %dma_start3A_62, %dma_start3A_63] : memref<32x200x128xi32, #tpu.memory_space<hbm>> -> memref<1x200x128xi32, #tpu.memory_space<hbm>>
      %dma_start3A_65 = tpu.memref_squeeze %dma_start3A_64 : memref<1x200x128xi32, #tpu.memory_space<hbm>> -> memref<200x128xi32, #tpu.memory_space<hbm>>
      tpu.enqueue_dma source(%dma_start3A_65 : memref<200x128xi32, #tpu.memory_space<hbm>>) target(%arg5 : memref<200x128xi32, #tpu.memory_space<vmem>>) target_semaphore(%run_scoped3A : memref<!tpu.dma_semaphore, #tpu.memory_space<semaphore_mem>>)
      %dma_wait3A_66 = arith.constant 0 : i32
      %dma_wait3A_67 = arith.constant 0 : i32
      %dma_wait3A_68 = tpu.memref_slice %arg3[%add3A, %dma_wait3A_66, %dma_wait3A_67] : memref<32x200x128xi32, #tpu.memory_space<hbm>> -> memref<1x200x128xi32, #tpu.memory_space<hbm>>
      %dma_wait3A_69 = tpu.memref_squeeze %dma_wait3A_68 : memref<1x200x128xi32, #tpu.memory_space<hbm>> -> memref<200x128xi32, #tpu.memory_space<hbm>>
      %dma_wait3A_70 = arith.constant 0 : i32
      %dma_wait3A_71 = arith.constant 0 : i32
      %dma_wait3A_72 = tpu.memref_slice %arg3[%add3A, %dma_wait3A_70, %dma_wait3A_71] : memref<32x200x128xi32, #tpu.memory_space<hbm>> -> memref<1x200x128xi32, #tpu.memory_space<hbm>>
      %dma_wait3A_73 = tpu.memref_squeeze %dma_wait3A_72 : memref<1x200x128xi32, #tpu.memory_space<hbm>> -> memref<200x128xi32, #tpu.memory_space<hbm>>
      tpu.wait_dma2 semaphore(%run_scoped3A : memref<!tpu.dma_semaphore, #tpu.memory_space<semaphore_mem>>) src(%dma_wait3A_73 : memref<200x128xi32, #tpu.memory_space<hbm>>) dst(%arg5 : memref<200x128xi32, #tpu.memory_space<vmem>>)
      tpu.yield
    }) : () -> ()
    %dma_start3A = arith.constant 0 : i32
    %dma_start3A_3 = arith.constant 0 : i32
    %dma_start3A_4 = arith.constant 0 : i32
    %dma_start3A_5 = tpu.memref_slice %arg6[%dma_start3A_3, %dma_start3A_4] : memref<512x64xf32, #tpu.memory_space<vmem>> -> memref<128x64xf32, #tpu.memory_space<vmem>>
    %dma_start3A_6 = arith.constant 0 : i32
    %dma_start3A_7 = tpu.memref_slice %arg5[%dma_start3A, %dma_start3A_6] : memref<200x128xi32, #tpu.memory_space<vmem>> -> memref<1x128xi32, #tpu.memory_space<vmem>>
    %dma_start3A_8 = tpu.memref_squeeze %dma_start3A_7 : memref<1x128xi32, #tpu.memory_space<vmem>> -> memref<128xi32, #tpu.memory_space<vmem>>
    %dma_start3A_9 = arith.constant 0 : i32
    %dma_start3A_10 = arith.constant 0 : i32
    %dma_start3A_11 = tpu.memref_slice %arg2[%dma_start3A_9, %dma_start3A_10] : memref<1000000x64xf32, #tpu.memory_space<hbm>> -> memref<1000000x64xf32, #tpu.memory_space<hbm>>
    tpu.enqueue_indirect_dma source(%dma_start3A_11 : memref<1000000x64xf32, #tpu.memory_space<hbm>>) target(%dma_start3A_5 : memref<128x64xf32, #tpu.memory_space<vmem>>) offsets(%dma_start3A_8 : memref<128xi32, #tpu.memory_space<vmem>>) semaphore(%arg8 : memref<!tpu.dma_semaphore, #tpu.memory_space<semaphore_mem>>)
    %dma_start3A_12 = arith.constant 1 : i32
    %dma_start3A_13 = arith.constant 128 : i32
    %dma_start3A_14 = arith.constant 0 : i32
    %dma_start3A_15 = tpu.memref_slice %arg6[%dma_start3A_13, %dma_start3A_14] : memref<512x64xf32, #tpu.memory_space<vmem>> -> memref<128x64xf32, #tpu.memory_space<vmem>>
    %dma_start3A_16 = arith.constant 0 : i32
    %dma_start3A_17 = tpu.memref_slice %arg5[%dma_start3A_12, %dma_start3A_16] : memref<200x128xi32, #tpu.memory_space<vmem>> -> memref<1x128xi32, #tpu.memory_space<vmem>>
    %dma_start3A_18 = tpu.memref_squeeze %dma_start3A_17 : memref<1x128xi32, #tpu.memory_space<vmem>> -> memref<128xi32, #tpu.memory_space<vmem>>
    %dma_start3A_19 = arith.constant 0 : i32
    %dma_start3A_20 = arith.constant 0 : i32
    %dma_start3A_21 = tpu.memref_slice %arg2[%dma_start3A_19, %dma_start3A_20] : memref<1000000x64xf32, #tpu.memory_space<hbm>> -> memref<1000000x64xf32, #tpu.memory_space<hbm>>
    tpu.enqueue_indirect_dma source(%dma_start3A_21 : memref<1000000x64xf32, #tpu.memory_space<hbm>>) target(%dma_start3A_15 : memref<128x64xf32, #tpu.memory_space<vmem>>) offsets(%dma_start3A_18 : memref<128xi32, #tpu.memory_space<vmem>>) semaphore(%arg8 : memref<!tpu.dma_semaphore, #tpu.memory_space<semaphore_mem>>)
    %dma_start3A_22 = arith.constant 2 : i32
    %dma_start3A_23 = arith.constant 256 : i32
    %dma_start3A_24 = arith.constant 0 : i32
    %dma_start3A_25 = tpu.memref_slice %arg6[%dma_start3A_23, %dma_start3A_24] : memref<512x64xf32, #tpu.memory_space<vmem>> -> memref<128x64xf32, #tpu.memory_space<vmem>>
    %dma_start3A_26 = arith.constant 0 : i32
    %dma_start3A_27 = tpu.memref_slice %arg5[%dma_start3A_22, %dma_start3A_26] : memref<200x128xi32, #tpu.memory_space<vmem>> -> memref<1x128xi32, #tpu.memory_space<vmem>>
    %dma_start3A_28 = tpu.memref_squeeze %dma_start3A_27 : memref<1x128xi32, #tpu.memory_space<vmem>> -> memref<128xi32, #tpu.memory_space<vmem>>
    %dma_start3A_29 = arith.constant 0 : i32
    %dma_start3A_30 = arith.constant 0 : i32
    %dma_start3A_31 = tpu.memref_slice %arg2[%dma_start3A_29, %dma_start3A_30] : memref<1000000x64xf32, #tpu.memory_space<hbm>> -> memref<1000000x64xf32, #tpu.memory_space<hbm>>
    tpu.enqueue_indirect_dma source(%dma_start3A_31 : memref<1000000x64xf32, #tpu.memory_space<hbm>>) target(%dma_start3A_25 : memref<128x64xf32, #tpu.memory_space<vmem>>) offsets(%dma_start3A_28 : memref<128xi32, #tpu.memory_space<vmem>>) semaphore(%arg8 : memref<!tpu.dma_semaphore, #tpu.memory_space<semaphore_mem>>)
    %dma_start3A_32 = arith.constant 3 : i32
    %dma_start3A_33 = arith.constant 384 : i32
    %dma_start3A_34 = arith.constant 0 : i32
    %dma_start3A_35 = tpu.memref_slice %arg6[%dma_start3A_33, %dma_start3A_34] : memref<512x64xf32, #tpu.memory_space<vmem>> -> memref<128x64xf32, #tpu.memory_space<vmem>>
    %dma_start3A_36 = arith.constant 0 : i32
    %dma_start3A_37 = tpu.memref_slice %arg5[%dma_start3A_32, %dma_start3A_36] : memref<200x128xi32, #tpu.memory_space<vmem>> -> memref<1x128xi32, #tpu.memory_space<vmem>>
    %dma_start3A_38 = tpu.memref_squeeze %dma_start3A_37 : memref<1x128xi32, #tpu.memory_space<vmem>> -> memref<128xi32, #tpu.memory_space<vmem>>
    %dma_start3A_39 = arith.constant 0 : i32
    %dma_start3A_40 = arith.constant 0 : i32
    %dma_start3A_41 = tpu.memref_slice %arg2[%dma_start3A_39, %dma_start3A_40] : memref<1000000x64xf32, #tpu.memory_space<hbm>> -> memref<1000000x64xf32, #tpu.memory_space<hbm>>
    tpu.enqueue_indirect_dma source(%dma_start3A_41 : memref<1000000x64xf32, #tpu.memory_space<hbm>>) target(%dma_start3A_35 : memref<128x64xf32, #tpu.memory_space<vmem>>) offsets(%dma_start3A_38 : memref<128xi32, #tpu.memory_space<vmem>>) semaphore(%arg8 : memref<!tpu.dma_semaphore, #tpu.memory_space<semaphore_mem>>)
    %scan3A = arith.constant 0 : i32
    %scan3A_42 = arith.constant 0 : i32
    %scan3A_43 = arith.constant 25 : i32
    %scan3A_44 = arith.addi %scan3A_42, %scan3A_43 : i32
    %scan3A_45 = arith.constant 1 : i32
    scf.for %scan3A_58 = %scan3A_42 to %scan3A_44 step %scan3A_45  : i32 {
      %mul3A_59 = arith.constant 2 : i32
      %mul3A_60 = arith.muli %mul3A_59, %scan3A_58 : i32
      %add3A_61 = arith.constant 1 : i32
      %add3A_62 = arith.addi %mul3A_60, %add3A_61 : i32
      %gt3A = arith.constant 0 : i32
      %gt3A_63 = arith.cmpi sgt, %scan3A_58, %gt3A : i32
      %convert_element_type3A = arith.extui %gt3A_63 : i1 to i32
      %cond3A = arith.constant 0 : i32
      %cond3A_64 = arith.cmpi ne, %convert_element_type3A, %cond3A : i32
      scf.if %cond3A_64 {
        %dma_wait3A_147 = arith.constant 0 : i32
        %dma_wait3A_148 = arith.constant 0 : i32
        %dma_wait3A_149 = tpu.memref_slice %arg4[%dma_wait3A_147, %dma_wait3A_148] : memref<819200x64xf32, #tpu.memory_space<hbm>> -> memref<512x64xf32, #tpu.memory_space<hbm>>
        %dma_wait3A_150 = arith.constant 0 : i32
        %dma_wait3A_151 = arith.constant 0 : i32
        %dma_wait3A_152 = tpu.memref_slice %arg4[%dma_wait3A_150, %dma_wait3A_151] : memref<819200x64xf32, #tpu.memory_space<hbm>> -> memref<512x64xf32, #tpu.memory_space<hbm>>
        tpu.wait_dma2 semaphore(%arg11 : memref<!tpu.dma_semaphore, #tpu.memory_space<semaphore_mem>>) src(%arg7 : memref<512x64xf32, #tpu.memory_space<vmem>>) dst(%dma_wait3A_152 : memref<512x64xf32, #tpu.memory_space<hbm>>)
      } else {
      }
      %mul3A_65 = arith.constant 4 : i32
      %mul3A_66 = arith.muli %add3A_62, %mul3A_65 : i32
      %add3A_67 = arith.constant 0 : i32
      %add3A_68 = arith.addi %mul3A_66, %add3A_67 : i32
      %dma_start3A_69 = arith.constant 0 : i32
      %dma_start3A_70 = arith.constant 0 : i32
      %dma_start3A_71 = tpu.memref_slice %arg7[%dma_start3A_69, %dma_start3A_70] : memref<512x64xf32, #tpu.memory_space<vmem>> -> memref<128x64xf32, #tpu.memory_space<vmem>>
      %dma_start3A_72 = arith.constant 0 : i32
      %dma_start3A_73 = tpu.memref_slice %arg5[%add3A_68, %dma_start3A_72] : memref<200x128xi32, #tpu.memory_space<vmem>> -> memref<1x128xi32, #tpu.memory_space<vmem>>
      %dma_start3A_74 = tpu.memref_squeeze %dma_start3A_73 : memref<1x128xi32, #tpu.memory_space<vmem>> -> memref<128xi32, #tpu.memory_space<vmem>>
      %dma_start3A_75 = arith.constant 0 : i32
      %dma_start3A_76 = arith.constant 0 : i32
      %dma_start3A_77 = tpu.memref_slice %arg2[%dma_start3A_75, %dma_start3A_76] : memref<1000000x64xf32, #tpu.memory_space<hbm>> -> memref<1000000x64xf32, #tpu.memory_space<hbm>>
      tpu.enqueue_indirect_dma source(%dma_start3A_77 : memref<1000000x64xf32, #tpu.memory_space<hbm>>) target(%dma_start3A_71 : memref<128x64xf32, #tpu.memory_space<vmem>>) offsets(%dma_start3A_74 : memref<128xi32, #tpu.memory_space<vmem>>) semaphore(%arg9 : memref<!tpu.dma_semaphore, #tpu.memory_space<semaphore_mem>>)
      %mul3A_78 = arith.constant 4 : i32
      %mul3A_79 = arith.muli %add3A_62, %mul3A_78 : i32
      %add3A_80 = arith.constant 1 : i32
      %add3A_81 = arith.addi %mul3A_79, %add3A_80 : i32
      %dma_start3A_82 = arith.constant 128 : i32
      %dma_start3A_83 = arith.constant 0 : i32
      %dma_start3A_84 = tpu.memref_slice %arg7[%dma_start3A_82, %dma_start3A_83] : memref<512x64xf32, #tpu.memory_space<vmem>> -> memref<128x64xf32, #tpu.memory_space<vmem>>
      %dma_start3A_85 = arith.constant 0 : i32
      %dma_start3A_86 = tpu.memref_slice %arg5[%add3A_81, %dma_start3A_85] : memref<200x128xi32, #tpu.memory_space<vmem>> -> memref<1x128xi32, #tpu.memory_space<vmem>>
      %dma_start3A_87 = tpu.memref_squeeze %dma_start3A_86 : memref<1x128xi32, #tpu.memory_space<vmem>> -> memref<128xi32, #tpu.memory_space<vmem>>
      %dma_start3A_88 = arith.constant 0 : i32
      %dma_start3A_89 = arith.constant 0 : i32
      %dma_start3A_90 = tpu.memref_slice %arg2[%dma_start3A_88, %dma_start3A_89] : memref<1000000x64xf32, #tpu.memory_space<hbm>> -> memref<1000000x64xf32, #tpu.memory_space<hbm>>
      tpu.enqueue_indirect_dma source(%dma_start3A_90 : memref<1000000x64xf32, #tpu.memory_space<hbm>>) target(%dma_start3A_84 : memref<128x64xf32, #tpu.memory_space<vmem>>) offsets(%dma_start3A_87 : memref<128xi32, #tpu.memory_space<vmem>>) semaphore(%arg9 : memref<!tpu.dma_semaphore, #tpu.memory_space<semaphore_mem>>)
      %mul3A_91 = arith.constant 4 : i32
      %mul3A_92 = arith.muli %add3A_62, %mul3A_91 : i32
      %add3A_93 = arith.constant 2 : i32
      %add3A_94 = arith.addi %mul3A_92, %add3A_93 : i32
      %dma_start3A_95 = arith.constant 256 : i32
      %dma_start3A_96 = arith.constant 0 : i32
      %dma_start3A_97 = tpu.memref_slice %arg7[%dma_start3A_95, %dma_start3A_96] : memref<512x64xf32, #tpu.memory_space<vmem>> -> memref<128x64xf32, #tpu.memory_space<vmem>>
      %dma_start3A_98 = arith.constant 0 : i32
      %dma_start3A_99 = tpu.memref_slice %arg5[%add3A_94, %dma_start3A_98] : memref<200x128xi32, #tpu.memory_space<vmem>> -> memref<1x128xi32, #tpu.memory_space<vmem>>
      %dma_start3A_100 = tpu.memref_squeeze %dma_start3A_99 : memref<1x128xi32, #tpu.memory_space<vmem>> -> memref<128xi32, #tpu.memory_space<vmem>>
      %dma_start3A_101 = arith.constant 0 : i32
      %dma_start3A_102 = arith.constant 0 : i32
      %dma_start3A_103 = tpu.memref_slice %arg2[%dma_start3A_101, %dma_start3A_102] : memref<1000000x64xf32, #tpu.memory_space<hbm>> -> memref<1000000x64xf32, #tpu.memory_space<hbm>>
      tpu.enqueue_indirect_dma source(%dma_start3A_103 : memref<1000000x64xf32, #tpu.memory_space<hbm>>) target(%dma_start3A_97 : memref<128x64xf32, #tpu.memory_space<vmem>>) offsets(%dma_start3A_100 : memref<128xi32, #tpu.memory_space<vmem>>) semaphore(%arg9 : memref<!tpu.dma_semaphore, #tpu.memory_space<semaphore_mem>>)
      %mul3A_104 = arith.constant 4 : i32
      %mul3A_105 = arith.muli %add3A_62, %mul3A_104 : i32
      %add3A_106 = arith.constant 3 : i32
      %add3A_107 = arith.addi %mul3A_105, %add3A_106 : i32
      %dma_start3A_108 = arith.constant 384 : i32
      %dma_start3A_109 = arith.constant 0 : i32
      %dma_start3A_110 = tpu.memref_slice %arg7[%dma_start3A_108, %dma_start3A_109] : memref<512x64xf32, #tpu.memory_space<vmem>> -> memref<128x64xf32, #tpu.memory_space<vmem>>
      %dma_start3A_111 = arith.constant 0 : i32
      %dma_start3A_112 = tpu.memref_slice %arg5[%add3A_107, %dma_start3A_111] : memref<200x128xi32, #tpu.memory_space<vmem>> -> memref<1x128xi32, #tpu.memory_space<vmem>>
      %dma_start3A_113 = tpu.memref_squeeze %dma_start3A_112 : memref<1x128xi32, #tpu.memory_space<vmem>> -> memref<128xi32, #tpu.memory_space<vmem>>
      %dma_start3A_114 = arith.constant 0 : i32
      %dma_start3A_115 = arith.constant 0 : i32
      %dma_start3A_116 = tpu.memref_slice %arg2[%dma_start3A_114, %dma_start3A_115] : memref<1000000x64xf32, #tpu.memory_space<hbm>> -> memref<1000000x64xf32, #tpu.memory_space<hbm>>
      tpu.enqueue_indirect_dma source(%dma_start3A_116 : memref<1000000x64xf32, #tpu.memory_space<hbm>>) target(%dma_start3A_110 : memref<128x64xf32, #tpu.memory_space<vmem>>) offsets(%dma_start3A_113 : memref<128xi32, #tpu.memory_space<vmem>>) semaphore(%arg9 : memref<!tpu.dma_semaphore, #tpu.memory_space<semaphore_mem>>)
      %dma_wait3A_117 = arith.constant 0 : i32
      %dma_wait3A_118 = arith.constant 0 : i32
      %dma_wait3A_119 = tpu.memref_slice %arg4[%dma_wait3A_117, %dma_wait3A_118] : memref<819200x64xf32, #tpu.memory_space<hbm>> -> memref<512x64xf32, #tpu.memory_space<hbm>>
      %dma_wait3A_120 = arith.constant 0 : i32
      %dma_wait3A_121 = arith.constant 0 : i32
      %dma_wait3A_122 = tpu.memref_slice %arg4[%dma_wait3A_120, %dma_wait3A_121] : memref<819200x64xf32, #tpu.memory_space<hbm>> -> memref<512x64xf32, #tpu.memory_space<hbm>>
      tpu.wait_dma2 semaphore(%arg8 : memref<!tpu.dma_semaphore, #tpu.memory_space<semaphore_mem>>) src(%dma_wait3A_122 : memref<512x64xf32, #tpu.memory_space<hbm>>) dst(%arg6 : memref<512x64xf32, #tpu.memory_space<vmem>>)
      %mul3A_123 = arith.constant 512 : i32
      %mul3A_124 = arith.muli %mul3A_60, %mul3A_123 : i32
      %add3A_125 = arith.addi %mul3A_2, %mul3A_124 : i32
      %dma_start3A_126 = arith.constant 0 : i32
      %dma_start3A_127 = tpu.memref_slice %arg4[%add3A_125, %dma_start3A_126] : memref<819200x64xf32, #tpu.memory_space<hbm>> -> memref<512x64xf32, #tpu.memory_space<hbm>>
      %dma_start3A_128 = arith.constant 0 : i32
      %dma_start3A_129 = tpu.memref_slice %arg4[%add3A_125, %dma_start3A_128] : memref<819200x64xf32, #tpu.memory_space<hbm>> -> memref<512x64xf32, #tpu.memory_space<hbm>>
      tpu.enqueue_dma source(%arg6 : memref<512x64xf32, #tpu.memory_space<vmem>>) target(%dma_start3A_129 : memref<512x64xf32, #tpu.memory_space<hbm>>) target_semaphore(%arg10 : memref<!tpu.dma_semaphore, #tpu.memory_space<semaphore_mem>>)
      %lt3A = arith.constant 24 : i32
      %lt3A_130 = arith.cmpi slt, %scan3A_58, %lt3A : i32
      %convert_element_type3A_131 = arith.extui %lt3A_130 : i1 to i32
      %cond3A_132 = arith.constant 0 : i32
      %cond3A_133 = arith.cmpi ne, %convert_element_type3A_131, %cond3A_132 : i32
      scf.if %cond3A_133 {
        %dma_wait3A_147 = arith.constant 0 : i32
        %dma_wait3A_148 = arith.constant 0 : i32
        %dma_wait3A_149 = tpu.memref_slice %arg4[%dma_wait3A_147, %dma_wait3A_148] : memref<819200x64xf32, #tpu.memory_space<hbm>> -> memref<512x64xf32, #tpu.memory_space<hbm>>
        %dma_wait3A_150 = arith.constant 0 : i32
        %dma_wait3A_151 = arith.constant 0 : i32
        %dma_wait3A_152 = tpu.memref_slice %arg4[%dma_wait3A_150, %dma_wait3A_151] : memref<819200x64xf32, #tpu.memory_space<hbm>> -> memref<512x64xf32, #tpu.memory_space<hbm>>
        tpu.wait_dma2 semaphore(%arg10 : memref<!tpu.dma_semaphore, #tpu.memory_space<semaphore_mem>>) src(%arg6 : memref<512x64xf32, #tpu.memory_space<vmem>>) dst(%dma_wait3A_152 : memref<512x64xf32, #tpu.memory_space<hbm>>)
        %add3A_153 = arith.constant 2 : i32
        %add3A_154 = arith.addi %mul3A_60, %add3A_153 : i32
        %mul3A_155 = arith.constant 4 : i32
        %mul3A_156 = arith.muli %add3A_154, %mul3A_155 : i32
        %add3A_157 = arith.constant 0 : i32
        %add3A_158 = arith.addi %mul3A_156, %add3A_157 : i32
        %dma_start3A_159 = arith.constant 0 : i32
        %dma_start3A_160 = arith.constant 0 : i32
        %dma_start3A_161 = tpu.memref_slice %arg6[%dma_start3A_159, %dma_start3A_160] : memref<512x64xf32, #tpu.memory_space<vmem>> -> memref<128x64xf32, #tpu.memory_space<vmem>>
        %dma_start3A_162 = arith.constant 0 : i32
        %dma_start3A_163 = tpu.memref_slice %arg5[%add3A_158, %dma_start3A_162] : memref<200x128xi32, #tpu.memory_space<vmem>> -> memref<1x128xi32, #tpu.memory_space<vmem>>
        %dma_start3A_164 = tpu.memref_squeeze %dma_start3A_163 : memref<1x128xi32, #tpu.memory_space<vmem>> -> memref<128xi32, #tpu.memory_space<vmem>>
        %dma_start3A_165 = arith.constant 0 : i32
        %dma_start3A_166 = arith.constant 0 : i32
        %dma_start3A_167 = tpu.memref_slice %arg2[%dma_start3A_165, %dma_start3A_166] : memref<1000000x64xf32, #tpu.memory_space<hbm>> -> memref<1000000x64xf32, #tpu.memory_space<hbm>>
        tpu.enqueue_indirect_dma source(%dma_start3A_167 : memref<1000000x64xf32, #tpu.memory_space<hbm>>) target(%dma_start3A_161 : memref<128x64xf32, #tpu.memory_space<vmem>>) offsets(%dma_start3A_164 : memref<128xi32, #tpu.memory_space<vmem>>) semaphore(%arg8 : memref<!tpu.dma_semaphore, #tpu.memory_space<semaphore_mem>>)
        %add3A_168 = arith.constant 2 : i32
        %add3A_169 = arith.addi %mul3A_60, %add3A_168 : i32
        %mul3A_170 = arith.constant 4 : i32
        %mul3A_171 = arith.muli %add3A_169, %mul3A_170 : i32
        %add3A_172 = arith.constant 1 : i32
        %add3A_173 = arith.addi %mul3A_171, %add3A_172 : i32
        %dma_start3A_174 = arith.constant 128 : i32
        %dma_start3A_175 = arith.constant 0 : i32
        %dma_start3A_176 = tpu.memref_slice %arg6[%dma_start3A_174, %dma_start3A_175] : memref<512x64xf32, #tpu.memory_space<vmem>> -> memref<128x64xf32, #tpu.memory_space<vmem>>
        %dma_start3A_177 = arith.constant 0 : i32
        %dma_start3A_178 = tpu.memref_slice %arg5[%add3A_173, %dma_start3A_177] : memref<200x128xi32, #tpu.memory_space<vmem>> -> memref<1x128xi32, #tpu.memory_space<vmem>>
        %dma_start3A_179 = tpu.memref_squeeze %dma_start3A_178 : memref<1x128xi32, #tpu.memory_space<vmem>> -> memref<128xi32, #tpu.memory_space<vmem>>
        %dma_start3A_180 = arith.constant 0 : i32
        %dma_start3A_181 = arith.constant 0 : i32
        %dma_start3A_182 = tpu.memref_slice %arg2[%dma_start3A_180, %dma_start3A_181] : memref<1000000x64xf32, #tpu.memory_space<hbm>> -> memref<1000000x64xf32, #tpu.memory_space<hbm>>
        tpu.enqueue_indirect_dma source(%dma_start3A_182 : memref<1000000x64xf32, #tpu.memory_space<hbm>>) target(%dma_start3A_176 : memref<128x64xf32, #tpu.memory_space<vmem>>) offsets(%dma_start3A_179 : memref<128xi32, #tpu.memory_space<vmem>>) semaphore(%arg8 : memref<!tpu.dma_semaphore, #tpu.memory_space<semaphore_mem>>)
        %add3A_183 = arith.constant 2 : i32
        %add3A_184 = arith.addi %mul3A_60, %add3A_183 : i32
        %mul3A_185 = arith.constant 4 : i32
        %mul3A_186 = arith.muli %add3A_184, %mul3A_185 : i32
        %add3A_187 = arith.constant 2 : i32
        %add3A_188 = arith.addi %mul3A_186, %add3A_187 : i32
        %dma_start3A_189 = arith.constant 256 : i32
        %dma_start3A_190 = arith.constant 0 : i32
        %dma_start3A_191 = tpu.memref_slice %arg6[%dma_start3A_189, %dma_start3A_190] : memref<512x64xf32, #tpu.memory_space<vmem>> -> memref<128x64xf32, #tpu.memory_space<vmem>>
        %dma_start3A_192 = arith.constant 0 : i32
        %dma_start3A_193 = tpu.memref_slice %arg5[%add3A_188, %dma_start3A_192] : memref<200x128xi32, #tpu.memory_space<vmem>> -> memref<1x128xi32, #tpu.memory_space<vmem>>
        %dma_start3A_194 = tpu.memref_squeeze %dma_start3A_193 : memref<1x128xi32, #tpu.memory_space<vmem>> -> memref<128xi32, #tpu.memory_space<vmem>>
        %dma_start3A_195 = arith.constant 0 : i32
        %dma_start3A_196 = arith.constant 0 : i32
        %dma_start3A_197 = tpu.memref_slice %arg2[%dma_start3A_195, %dma_start3A_196] : memref<1000000x64xf32, #tpu.memory_space<hbm>> -> memref<1000000x64xf32, #tpu.memory_space<hbm>>
        tpu.enqueue_indirect_dma source(%dma_start3A_197 : memref<1000000x64xf32, #tpu.memory_space<hbm>>) target(%dma_start3A_191 : memref<128x64xf32, #tpu.memory_space<vmem>>) offsets(%dma_start3A_194 : memref<128xi32, #tpu.memory_space<vmem>>) semaphore(%arg8 : memref<!tpu.dma_semaphore, #tpu.memory_space<semaphore_mem>>)
        %add3A_198 = arith.constant 2 : i32
        %add3A_199 = arith.addi %mul3A_60, %add3A_198 : i32
        %mul3A_200 = arith.constant 4 : i32
        %mul3A_201 = arith.muli %add3A_199, %mul3A_200 : i32
        %add3A_202 = arith.constant 3 : i32
        %add3A_203 = arith.addi %mul3A_201, %add3A_202 : i32
        %dma_start3A_204 = arith.constant 384 : i32
        %dma_start3A_205 = arith.constant 0 : i32
        %dma_start3A_206 = tpu.memref_slice %arg6[%dma_start3A_204, %dma_start3A_205] : memref<512x64xf32, #tpu.memory_space<vmem>> -> memref<128x64xf32, #tpu.memory_space<vmem>>
        %dma_start3A_207 = arith.constant 0 : i32
        %dma_start3A_208 = tpu.memref_slice %arg5[%add3A_203, %dma_start3A_207] : memref<200x128xi32, #tpu.memory_space<vmem>> -> memref<1x128xi32, #tpu.memory_space<vmem>>
        %dma_start3A_209 = tpu.memref_squeeze %dma_start3A_208 : memref<1x128xi32, #tpu.memory_space<vmem>> -> memref<128xi32, #tpu.memory_space<vmem>>
        %dma_start3A_210 = arith.constant 0 : i32
        %dma_start3A_211 = arith.constant 0 : i32
        %dma_start3A_212 = tpu.memref_slice %arg2[%dma_start3A_210, %dma_start3A_211] : memref<1000000x64xf32, #tpu.memory_space<hbm>> -> memref<1000000x64xf32, #tpu.memory_space<hbm>>
        tpu.enqueue_indirect_dma source(%dma_start3A_212 : memref<1000000x64xf32, #tpu.memory_space<hbm>>) target(%dma_start3A_206 : memref<128x64xf32, #tpu.memory_space<vmem>>) offsets(%dma_start3A_209 : memref<128xi32, #tpu.memory_space<vmem>>) semaphore(%arg8 : memref<!tpu.dma_semaphore, #tpu.memory_space<semaphore_mem>>)
      } else {
      }
      %dma_wait3A_134 = arith.constant 0 : i32
      %dma_wait3A_135 = arith.constant 0 : i32
      %dma_wait3A_136 = tpu.memref_slice %arg4[%dma_wait3A_134, %dma_wait3A_135] : memref<819200x64xf32, #tpu.memory_space<hbm>> -> memref<512x64xf32, #tpu.memory_space<hbm>>
      %dma_wait3A_137 = arith.constant 0 : i32
      %dma_wait3A_138 = arith.constant 0 : i32
      %dma_wait3A_139 = tpu.memref_slice %arg4[%dma_wait3A_137, %dma_wait3A_138] : memref<819200x64xf32, #tpu.memory_space<hbm>> -> memref<512x64xf32, #tpu.memory_space<hbm>>
      tpu.wait_dma2 semaphore(%arg9 : memref<!tpu.dma_semaphore, #tpu.memory_space<semaphore_mem>>) src(%dma_wait3A_139 : memref<512x64xf32, #tpu.memory_space<hbm>>) dst(%arg7 : memref<512x64xf32, #tpu.memory_space<vmem>>)
      %mul3A_140 = arith.constant 512 : i32
      %mul3A_141 = arith.muli %add3A_62, %mul3A_140 : i32
      %add3A_142 = arith.addi %mul3A_2, %mul3A_141 : i32
      %dma_start3A_143 = arith.constant 0 : i32
      %dma_start3A_144 = tpu.memref_slice %arg4[%add3A_142, %dma_start3A_143] : memref<819200x64xf32, #tpu.memory_space<hbm>> -> memref<512x64xf32, #tpu.memory_space<hbm>>
      %dma_start3A_145 = arith.constant 0 : i32
      %dma_start3A_146 = tpu.memref_slice %arg4[%add3A_142, %dma_start3A_145] : memref<819200x64xf32, #tpu.memory_space<hbm>> -> memref<512x64xf32, #tpu.memory_space<hbm>>
      tpu.enqueue_dma source(%arg7 : memref<512x64xf32, #tpu.memory_space<vmem>>) target(%dma_start3A_146 : memref<512x64xf32, #tpu.memory_space<hbm>>) target_semaphore(%arg11 : memref<!tpu.dma_semaphore, #tpu.memory_space<semaphore_mem>>)
    }
    %scan3A_46 = arith.constant 25 : i32
    %dma_wait3A = arith.constant 0 : i32
    %dma_wait3A_47 = arith.constant 0 : i32
    %dma_wait3A_48 = tpu.memref_slice %arg4[%dma_wait3A, %dma_wait3A_47] : memref<819200x64xf32, #tpu.memory_space<hbm>> -> memref<512x64xf32, #tpu.memory_space<hbm>>
    %dma_wait3A_49 = arith.constant 0 : i32
    %dma_wait3A_50 = arith.constant 0 : i32
    %dma_wait3A_51 = tpu.memref_slice %arg4[%dma_wait3A_49, %dma_wait3A_50] : memref<819200x64xf32, #tpu.memory_space<hbm>> -> memref<512x64xf32, #tpu.memory_space<hbm>>
    tpu.wait_dma2 semaphore(%arg10 : memref<!tpu.dma_semaphore, #tpu.memory_space<semaphore_mem>>) src(%arg6 : memref<512x64xf32, #tpu.memory_space<vmem>>) dst(%dma_wait3A_51 : memref<512x64xf32, #tpu.memory_space<hbm>>)
    %dma_wait3A_52 = arith.constant 0 : i32
    %dma_wait3A_53 = arith.constant 0 : i32
    %dma_wait3A_54 = tpu.memref_slice %arg4[%dma_wait3A_52, %dma_wait3A_53] : memref<819200x64xf32, #tpu.memory_space<hbm>> -> memref<512x64xf32, #tpu.memory_space<hbm>>
    %dma_wait3A_55 = arith.constant 0 : i32
    %dma_wait3A_56 = arith.constant 0 : i32
    %dma_wait3A_57 = tpu.memref_slice %arg4[%dma_wait3A_55, %dma_wait3A_56] : memref<819200x64xf32, #tpu.memory_space<hbm>> -> memref<512x64xf32, #tpu.memory_space<hbm>>
    tpu.wait_dma2 semaphore(%arg11 : memref<!tpu.dma_semaphore, #tpu.memory_space<semaphore_mem>>) src(%arg7 : memref<512x64xf32, #tpu.memory_space<vmem>>) dst(%dma_wait3A_57 : memref<512x64xf32, #tpu.memory_space<hbm>>)
    return
  }
}

module attributes {stable_mosaic.version = 14 : i64} {
  func.func @_mm_body(%arg0: i32, %arg1: memref<1024x64xf32, #tpu.memory_space<vmem>>, %arg2: memref<64x1280xf32, #tpu.memory_space<vmem>>, %arg3: memref<1x1280xf32, #tpu.memory_space<vmem>>, %arg4: memref<1024x1280xf32, #tpu.memory_space<vmem>>) attributes {dimension_semantics = [#tpu.dimension_semantics<arbitrary>], iteration_bounds = array<i64: 800>, scalar_prefetch = 0 : i64, scratch_operands = 0 : i64, tpu.core_type = #tpu.core_type<tc>, window_params = [{transform_indices = @transform_0, window_bounds = array<i64: 1024, 64>}, {pipeline_mode = #tpu.pipeline_mode<synchronous>, transform_indices = @transform_1, window_bounds = array<i64: 64, 1280>}, {pipeline_mode = #tpu.pipeline_mode<synchronous>, transform_indices = @transform_2, window_bounds = array<i64: 1, 1280>}, {transform_indices = @transform_3, window_bounds = array<i64: 1024, 1280>}]} {
    %get3A = arith.constant 0 : index
    %get3A_0 = arith.constant 0 : index
    %get3A_1 = vector.load %arg1[%get3A, %get3A_0] : memref<1024x64xf32, #tpu.memory_space<vmem>>, vector<1024x64xf32>
    %get3A_2 = arith.constant 0 : index
    %get3A_3 = arith.constant 0 : index
    %get3A_4 = vector.load %arg2[%get3A_2, %get3A_3] : memref<64x1280xf32, #tpu.memory_space<vmem>>, vector<64x1280xf32>
    %dot_general3A = arith.constant dense<0.000000e+00> : vector<1024x1280xf32>
    %dot_general3A_5 = tpu.matmul %get3A_1, %get3A_4, %dot_general3A {dimension_numbers = #tpu.dot_dimension_numbers<[1], [0], [0], [1], [0, 0, 1, 1], [], []>, transpose_lhs_hint = false} : vector<1024x64xf32>, vector<64x1280xf32>, vector<1024x1280xf32> -> vector<1024x1280xf32>
    %get3A_6 = arith.constant 0 : index
    %get3A_7 = arith.constant 0 : index
    %get3A_8 = vector.load %arg3[%get3A_6, %get3A_7] : memref<1x1280xf32, #tpu.memory_space<vmem>>, vector<1x1280xf32>
    %add3A = vector.broadcast %get3A_8 : vector<1x1280xf32> to vector<1024x1280xf32>
    %add3A_9 = arith.addf %dot_general3A_5, %add3A : vector<1024x1280xf32>
    %swap3A = arith.constant 0 : index
    %swap3A_10 = arith.constant 0 : index
    %swap3A_11 = vector.load %arg4[%swap3A, %swap3A_10] : memref<1024x1280xf32, #tpu.memory_space<vmem>>, vector<1024x1280xf32>
    tpu.vector_store %arg4[%swap3A, %swap3A_10], %add3A_9 {strides = array<i32>} : memref<1024x1280xf32, #tpu.memory_space<vmem>>, vector<1024x1280xf32>,
    return
  }
  func.func @transform_0(%arg0: i32) -> (i32, i32) {
    %c0_i32 = arith.constant 0 : i32
    %c0_i32_0 = arith.constant 0 : i32
    return %arg0, %c0_i32 : i32, i32
  }
  func.func @transform_1(%arg0: i32) -> (i32, i32) {
    %c0_i32 = arith.constant 0 : i32
    %c0_i32_0 = arith.constant 0 : i32
    %c0_i32_1 = arith.constant 0 : i32
    return %c0_i32, %c0_i32_0 : i32, i32
  }
  func.func @transform_2(%arg0: i32) -> (i32, i32) {
    %c0_i32 = arith.constant 0 : i32
    %c0_i32_0 = arith.constant 0 : i32
    %c0_i32_1 = arith.constant 0 : i32
    return %c0_i32, %c0_i32_0 : i32, i32
  }
  func.func @transform_3(%arg0: i32) -> (i32, i32) {
    %c0_i32 = arith.constant 0 : i32
    %c0_i32_0 = arith.constant 0 : i32
    return %arg0, %c0_i32 : i32, i32
  }
}

</mosaic_0001>

<sc_bundles>
// kernel: kernel.4.cloned.1.call-start
scs
__scs_entry_jumppad:
0x0: {  	(pc) =	sbr.rel $0x88, $3  }
0x1: {  	(tag) =	ssettag $0x0;
	lr =	simm.s32 $0x1  }
0x2: {  	[smem:$0x3F9D] =	sst lr;
	_ =	strace $0xD0000000  }
0x3: {  	_ = 	snop  }
0x4: {  	_ = 	snop  }
0x5: {  	_ = 	snop  }
0x6: {  	_ = 	snop  }
0x7: {  	_ = 	snop  }
__scs_overlays_trampoline_lowered:
0x8: {  	[smem:$0x3FAC] =	sst s0  }
0x9: {  	[smem:$0x3FAD] =	sst s1  }
0xa: {  	[smem:$0x3FAE] =	sst s2  }
0xb: {  	[smem:$0x3FAF] =	sst s3  }
0xc: {  	[smem:$0x3FB0] =	sst s4  }
0xd: {  	[smem:$0x3FB1] =	sst s5  }
0xe: {  	[smem:$0x3FB2] =	sst s6  }
0xf: {  	[smem:$0x3FB3] =	sst s7  }
0x10: {  	[smem:$0x3FB4] =	sst s8  }
0x11: {  	[smem:$0x3FB5] =	sst s9;
	s0 =	simm.s32 @!p0 $0x0  }
0x12: {  	s1 =	sld [smem:$0x3F9B];
	s0 =	simm.s32 @p0 $0x1  }
0x13: {  	[smem:$0x3FB6] =	sst s0;
	s0 =	simm.s32 @!p1 $0x0  }
0x14: {  	s2 =	sld [smem:$0x3F9A];
	s0 =	simm.s32 @p1 $0x1  }
0x15: {  	[smem:$0x3FB7] =	sst s0;
	s0 =	simm.s32 @!p2 $0x0  }
0x16: {  	s3 =	sld [smem:$0x3FDB];
	s0 =	simm.s32 @p2 $0x1  }
0x17: {  	s4 =	simm.s32 $0x1BF5;
	[smem:$0x3FB9] =	sst s0  }
0x18: {  	s0 =	sld [smem:$0x3F9C];
	_ =	swait.ge [sflag:s4], $0x0  }
0x19: {  	s7 =	sld [smem:$0x3F9D]  }
0x1a: {  	s8 =	sadd.s32 $0xFFFFE003, lr  }
0x1b: {  	s9 =	sadd.s32 $0xFFFFFEF7, lr;
	s5 =	simm.s32 $0xFFFFFFFF;
	p2 =	slt.u32 s8, $0xFFFFF086  }
0x1c: {  	p1 =	slt.u32 s9, $0xF7A;
	s5 =	simm.s32 @!p2 $0x0  }
0x1d: {  	s5 =	simm.s32 @p1 $0x1;
	p0 =	seq.s32 s7, s2  }
0x1e: {  	s7 =	smul.u32 @!p0 $0xF7A, s2;
	p2 =	seq.s32 @!p0 s5, $0x0  }
0x1f: {  	s9 =	smul.u32 $0xF7A, s1;
	s8 =	simm.s32 @!p0 $0x1BF5;
	p2 =	por !p2, p0  }
0x20: {  	[sflag:s8] =	ssyncset.s32 @!p0 $0xFFFFF086;
	s6 =	sadd.s32 @!p0 s3, s7;
	s7 =	simm.s32 @!p0 $0x108  }
0x21: {  	s3 =	sadd.s32 s3, s9;
	s6 =	sadd.s32 @!p0 $0x88, s6;
	s7 =	simm.s32 @p2 $0x1082  }
0x22: {  	[simem:s7], [sflag:s8] =	dma.local @!p0 [hbm:s6], $0xF7A  }
0x23: {  	s9 =	sor.u32 $0xD0000000, s2;
	s6 =	simm.s32 $0x108;
	_ =	swait.ge @!p0 [sflag:s8], $0x0  }
0x24: {  	s3 =	sadd.s32 $0x88, s3;
	s6 =	simm.s32 @!p1 $0x1082;
	[sflag:s4] =	ssyncset.s32 $0xFFFFF086  }
0x25: {  	[simem:s6], [sflag:s4] =	dma.local [hbm:s3], $0xF7A  }
0x26: {  	[smem:$0x3F9D] =	sst s1;
	(tag) =	ssettag s2;
	_ =	strace s9  }
0x27: {  	s1 =	sld [smem:$0x3FAD]  }
0x28: {  	s2 =	sld [smem:$0x3FAE]  }
0x29: {  	s4 =	sld [smem:$0x3FB0]  }
0x2a: {  	p0 =	seq.s32 s5, $0x0;
	s5 =	sld [smem:$0x3FB1]  }
0x2b: {  	s6 =	sld [smem:$0x3FB2]  }
0x2c: {  	s7 =	sld [smem:$0x3FB3]  }
0x2d: {  	s3 =	simm.s32 $0x108;
	s8 =	sld [smem:$0x3FB4]  }
0x2e: {  	s3 =	simm.s32 @!p0 $0x1082;
	s9 =	sld [smem:$0x3FB5]  }
0x2f: {  	lr =	sadd.s32 s0, s3;
	s0 =	sld [smem:$0x3FAC]  }
0x30: {  	s3 =	sld [smem:$0x3FAF]  }
0x31: {  	[smem:$0x3FB8] =	sst s10  }
0x32: {  	s10 =	sld [smem:$0x3FB6];
	_ =	sdelay $0x3  }
0x33: {  	p0 =	seq.s32 s10, $0x1;
	s10 =	sld [smem:$0x3FB8];
	_ =	sdelay $0x3  }
0x34: {  	[smem:$0x3FB8] =	sst s10  }
0x35: {  	s10 =	sld [smem:$0x3FB7];
	_ =	sdelay $0x3  }
0x36: {  	p1 =	seq.s32 s10, $0x1;
	s10 =	sld [smem:$0x3FB8];
	_ =	sdelay $0x3  }
0x37: {  	[smem:$0x3FB8] =	sst s10  }
0x38: {  	s10 =	sld [smem:$0x3FB9]  }
0x39: {  	_ = 	snop;
	(pc) =	sbr.ind lr, $3  }
0x3a: {  	_ = 	snop  }
0x3b: {  	_ = 	snop  }
0x3c: {  	p2 =	seq.s32 s10, $0x1;
	s10 =	sld [smem:$0x3FB8]  }
0x3d: {  	_ =	shalt  }
0x3e: {  	_ =	shalt  }
0x3f: {  	_ =	shalt  }
0x40: {  	_ =	shalt  }
0x41: {  	_ =	shalt  }
0x42: {  	_ =	shalt  }
0x43: {  	_ =	shalt  }
0x44: {  	_ =	shalt  }
0x45: {  	_ =	shalt  }
0x46: {  	_ =	shalt  }
0x47: {  	_ =	shalt  }
0x48: {  	_ =	shalt  }
0x49: {  	_ =	shalt  }
0x4a: {  	_ =	shalt  }
0x4b: {  	_ =	shalt  }
0x4c: {  	_ =	shalt  }
0x4d: {  	_ =	shalt  }
0x4e: {  	_ =	shalt  }
0x4f: {  	_ =	shalt  }
0x50: {  	_ =	shalt  }
0x51: {  	_ =	shalt  }
0x52: {  	_ =	shalt  }
0x53: {  	_ =	shalt  }
0x54: {  	_ =	shalt  }
0x55: {  	_ =	shalt  }
0x56: {  	_ =	shalt  }
0x57: {  	_ =	shalt  }
0x58: {  	_ =	shalt  }
0x59: {  	_ =	shalt  }
0x5a: {  	_ =	shalt  }
0x5b: {  	_ =	shalt  }
0x5c: {  	_ =	shalt  }
0x5d: {  	_ =	shalt  }
0x5e: {  	_ =	shalt  }
0x5f: {  	_ =	shalt  }
0x60: {  	_ =	shalt  }
0x61: {  	_ =	shalt  }
0x62: {  	_ =	shalt  }
0x63: {  	_ =	shalt  }
0x64: {  	_ =	shalt  }
0x65: {  	_ =	shalt  }
0x66: {  	_ =	shalt  }
0x67: {  	_ =	shalt  }
0x68: {  	_ =	shalt  }
0x69: {  	_ =	shalt  }
0x6a: {  	_ =	shalt  }
0x6b: {  	_ =	shalt  }
0x6c: {  	_ =	shalt  }
0x6d: {  	_ =	shalt  }
0x6e: {  	_ =	shalt  }
0x6f: {  	_ =	shalt  }
0x70: {  	_ =	shalt  }
0x71: {  	_ =	shalt  }
0x72: {  	_ =	shalt  }
0x73: {  	_ =	shalt  }
0x74: {  	_ =	shalt  }
0x75: {  	_ =	shalt  }
0x76: {  	_ =	shalt  }
0x77: {  	_ =	shalt  }
0x78: {  	_ =	shalt  }
0x79: {  	_ =	shalt  }
0x7a: {  	_ =	shalt  }
0x7b: {  	_ =	shalt  }
0x7c: {  	_ =	shalt  }
0x7d: {  	_ =	shalt  }
0x7e: {  	_ =	shalt  }
0x7f: {  	_ =	shalt  }
0x80: {  	_ =	shalt  }
0x81: {  	_ =	shalt  }
0x82: {  	_ =	shalt  }
0x83: {  	_ =	shalt  }
0x84: {  	_ =	shalt  }
0x85: {  	_ =	shalt  }
0x86: {  	_ =	shalt  }
0x87: {  	_ =	shalt  }
.Lfunc_end0:
.L_simem_size_0:
called_computation_lowered:
.L_overlay_start_0:
0x88: {  	s2 =	sld [smem:$0x3FD9]  }
0x89: {  	s3 =	sld [smem:$0x3FFE];
	_ =	sdelay $0x1  }
0x8a: {  	s1 =	srdreg.scid  }
0x8b: {  	s0 =	sand.u32 $0x1, s1  }
0x8c: {  	s17 =	sshll.u32 s0, $0xA;
	s2 =	sadd.s32 s3, s2  }
0x8d: {  	s2 =	sadd.s32 s2, s17  }
0x8e: {  	[smem:$0x3FC4] =	sst s2  }
0x8f: {  	_ = 	snop  }
0x90: {  	s2 =	sld [smem:$0x3FD0];
	(tm) =	ssettm $0x1  }
0x91: {  	s18 =	sld [smem:$0x3FFB];
	_ =	sdelay $0x3  }
0x92: {  	_ =	strace s18  }
0x93: {  	s3 =	sld [smem:$0x3FFC];
	_ =	sdelay $0x3  }
0x94: {  	_ =	strace s3  }
0x95: {  	s3 =	sld [smem:$0x3FFD];
	_ =	sdelay $0x3  }
0x96: {  	_ =	strace s3  }
0x97: {  	_ =	strace $0x8FFFFFFF  }
0x98: {  	s19 =	sld [smem:$0x3FDB];
	_ =	sdelay $0x1  }
0x99: {  	s4 =	simm.s32 $_scs_section_size  }
0x9a: {  	s5 =	simm.s32 $_size__tile_overlayer_lowered;
	s6 =	simm.s32 $_tile_overlayer_lowered  }
0x9b: {  	s22 =	simm.s32 $0x1BFF;
	s21 =	sshll.u32 s6, $0x1;
	s3 =	sadd.s32 s4, s19  }
0x9c: {  	s7 =	simm.s32 $0x0;
	s20 =	sshll.u32 s5, $0x1;
	s5 =	sadd.s32 s21, s3  }
0x9d: {  	[timem:s7], [sflag:s22] =	dma.local [hbm:s5], s20  }
0x9e: {  	_ =	swait.ge [sflag:s22], s20  }
0x9f: {  	s4 =	ssub.s32 $0x0, s20;
	[sflag:s22] =	ssyncset.done $0x0  }
0xa0: {  	[sflag:s22] =	ssyncadd.s32 s4;
	_ =	sdelay $0x1  }
0xa1: {  	s23 =	simm.s32 $0x1B8B  }
0xa2: {  	_ =	swait.ge [sflag:s23], $0x1  }
0xa3: {  	[sflag:s23] =	ssyncset.done $0x0  }
0xa4: {  	s25 =	simm.s32 $0x1B8E;
	s24 =	sld [smem:$0x3FFE];
	[sflag:s23] =	ssyncadd.s32 $0xFFFFFFFF  }
0xa5: {  	s26 =	simm.s32 $execute0_lowered;
	[smem:$0x3FD2] =	sst s25  }
0xa6: {  	s5 =	sshll.u32 s26, $0x1;
	_ =	strace $0x80000046;
	[dreg:$0x1] =	wrdreg $0xFFFFFFFF  }
0xa7: {  	s28 =	simm.s32 $_size_execute0_lowered;
	s3 =	sadd.s32 s3, s5;
	[dreg:$0x0] =	wrdreg $0x0  }
0xa8: {  	s5 =	sshll.u32 s28, $0x1;
	[dreg:$0x2] =	wrdreg s3  }
0xa9: {  	[dreg:$0x3] =	wrdreg s5  }
0xaa: {  	[dreg:$0x4] =	wrdreg $0xC0  }
0xab: {  	_ =	task [dreg:s7], $0x5FFFF  }
0xac: {  	[dreg:$0x1] =	wrdreg $0xFFFFFFFF  }
0xad: {  	[dreg:$0x0] =	wrdreg $0x60  }
0xae: {  	[dreg:$0x2] =	wrdreg s24  }
0xaf: {  	[dreg:$0x3] =	wrdreg s2  }
0xb0: {  	[dreg:$0x4] =	wrdreg $0x9  }
0xb1: {  	_ =	task.clear_ibuf [dreg:s7], $0x5FFFF;
	_ =	strace $0x90000046  }
0xb2: {  	s29 =	simm.s32 $0x9;
	_ =	strace $0x80000048  }
0xb3: {  	_ =	swait.ge [sflag:s29], $0x1  }
0xb4: {  	[sflag:s29] =	ssyncadd.s32 $0xFFFFFFFF  }
0xb5: {  	_ =	strace $0x90000048  }
0xb6: {  	_ =	sfence  }
0xb7: {  	s30 =	sld [smem:$0x0];
	_ =	sdelay $0x2  }
0xb8: {  	s31 =	sshll.u32 s1, $0xD;
	s1 =	sshrl.u32 s1, $0x2  }
0xb9: {  	s3 =	sand.u32 $0x4000, s31;
	s1 =	sadd.s32 s1, s30  }
0xba: {  	s0 =	sor.u32 s3, s0;
	s1 =	sshll.u32 s1, $0x11  }
0xbb: {  	s0 =	sor.u32 s1, s0  }
0xbc: {  	s0 =	sadd.s32 $0x8F2B, s0  }
0xbd: {  	[sflag:s0] =	ssyncadd.remote.s32 $0x1  }
0xbe: {  	_ =	sfence.sel $0xFFFF  }
0xbf: {  	[dreg:$0x0] =	wrdreg $0xFFFFFFFF;
	(pc) =	sbr.abs _section_cstart, $3  }
0xc0: {  	[dreg:$0x1] =	wrdreg $0xFFFFFFFF  }
0xc1: {  	_ =	task.clear_ibuf [dreg:s7], $0x2FFFF;
	_ =	strace $0x9FFFFFFF  }
0xc2: {  	(tm) =	ssettm $0x7FFFFFFF  }
0xc3: {  	_ =	shalt  }
tec
execute0_lowered:
.L_overlay_start_1:
0x0: {  	(tag) =	ssettag $0x1  }
0x1: {  	s0 =	rddreg [dreg:$0x0];
	s1 =	srdreg.scid  }
0x2: {  	s8 =	stileid.u32;
	s2 =	rddreg [dreg:$0x1];
	s3 =	simm.s32 $0x0  }
0x3: {  	s13 =	simm.s32 $0x5;
	s14 =	simm.s32 $0x80;
	s15 =	simm.s32 $0x6400  }
0x4: {  	s16 =	simm.s32 $0x8400;
	s18 =	simm.s32 $0xA400;
	s20 =	simm.s32 $0xC400  }
0x5: {  	s22 =	simm.s32 $0xE400;
	s29 =	simm.s32 $0x14400;
	s30 =	simm.s32 $0x1  }
0x6: {  	s31 =	simm.s32 $0x3;
	s21 =	simm.s32 $0x2;
	s23 =	simm.s32 $0x4  }
0x7: {  	s1 =	sand.u32 $0x1, s1;
	s4 =	sshll.u32 s8, $0x1;
	s8 =	smul.u32 $0x320000, s8  }
0x8: {  	s4 =	sor.u32 s1, s4;
	s7 =	ssub.s32 $0x2, s1;
	s1 =	smul.u32 $0x190000, s1  }
0x9: {  	s17 =	simm.s32 $0x0;
	[smem:$0x7FF] =	sst s3;
	s5 =	smul.u32 $0xC80, s4  }
0xa: {  	_ =	strace $0x80000047;
	s6 =	smul.u32 $0x190000, s4;
	s24 =	sshrl.u32 s7, $0x1  }
0xb: {  	s4 =	sadd.s32 $0x19A00, s0;
	s7 =	ssub.s32 s7, s24;
	s26 =	sadd.s32 s1, s8  }
0xc: {  	s24 =	simm.s32 $0x10400;
	s0 =	sadd.s32 s5, s0;
	s25 =	sshrl.u32 s6, $0x3  }
0xd: {  	s6 =	smax.u32 s7, $0x1;
	s1 =	sadd.s32 $0x18000, s26;
	s11 =	sadd.s32 $0x10000, s26  }
0xe: {  	s26 =	simm.s32 $0x12400;
	s0 =	sadd.s32 $0xA00, s0;
	s7 =	sadd.s32 s2, s25  }
0xf: {  	s28 =	sshrl.u32 s1, $0x3;
	[dreg:$0x3] =	wrdreg s0;
	s8 =	sadd.s32 $0x1000, s7  }
0x10: {  	s9 =	sadd.s32 $0x30000, s7;
	s10 =	sadd.s32 $0x31000, s7;
	s1 =	sadd.s32 s28, s2  }
.LBB2_1:
0x11: {  	s0 =	rddreg [dreg:$0x3]  }
0x12: {  	[tilespmem:s3], [sflag:$0x5] =	stream.linear.gather [hbm4b:s0+s3], $0x6400, $0x38;
	[tilespmem:$0x16400] =	vst v63  }
0x13: {  	_ =	swait.ge [sflag:s13], $0x6400  }
0x14: {  	[sflag:s13] =	ssyncset.done $0x0  }
0x15: {  	[sflag:s13] =	ssyncadd.s32 $0xFFFF9C00  }
0x16: {  	[tilespmem:s15], [sflag:$0x1] =	stream.indirect.gather [hbm4b:s4+s14], $0x40, s3, s14, $0xb8;
	[tilespmem:$0x16400] =	vst v63  }
0x17: {  	_ = 	snop  }
0x18: {  	[tilespmem:s16], [sflag:$0x1] =	stream.indirect.gather [hbm4b:s4+s14], $0x40, s14, s14, $0xb8;
	[tilespmem:$0x16400] =	vst v63  }
0x19: {  	s19 =	simm.s32 $0x100  }
0x1a: {  	[tilespmem:s18], [sflag:$0x1] =	stream.indirect.gather [hbm4b:s4+s14], $0x40, s19, s14, $0xb8;
	[tilespmem:$0x16400] =	vst v63  }
0x1b: {  	s25 =	simm.s32 $0x180  }
0x1c: {  	[tilespmem:s20], [sflag:$0x1] =	stream.indirect.gather [hbm4b:s4+s14], $0x40, s25, s14, $0xb8;
	[tilespmem:$0x16400] =	vst v63  }
0x1d: {  	s5 =	simm.s32 $0x200  }
0x1e: {  	[tilespmem:s22], [sflag:$0x2] =	stream.indirect.gather [hbm4b:s4+s14], $0x40, s5, s14, $0xb8;
	[tilespmem:$0x16400] =	vst v63  }
0x1f: {  	s12 =	simm.s32 $0x280  }
0x20: {  	[tilespmem:s24], [sflag:$0x2] =	stream.indirect.gather [hbm4b:s4+s14], $0x40, s12, s14, $0xb8;
	[tilespmem:$0x16400] =	vst v63  }
0x21: {  	s19 =	simm.s32 $0x300  }
0x22: {  	[tilespmem:s26], [sflag:$0x2] =	stream.indirect.gather [hbm4b:s4+s14], $0x40, s19, s14, $0xb8;
	[tilespmem:$0x16400] =	vst v63  }
0x23: {  	s25 =	simm.s32 $0x380  }
0x24: {  	[tilespmem:s29], [sflag:$0x2] =	stream.indirect.gather [hbm4b:s4+s14], $0x40, s25, s14, $0xb8;
	[tilespmem:$0x16400] =	vst v63  }
0x25: {  	_ =	swait.ge [sflag:s30], $0x8000  }
0x26: {  	[sflag:s30] =	ssyncset.done $0x0  }
0x27: {  	[sflag:s30] =	ssyncadd.s32 $0xFFFF8000  }
0x28: {  	[hbm4b:s7+s3] =	stream.linear.scatter [tilespmem:s15], [sflag:$0x3], $0x8000, $0x38;
	[tilespmem:$0x16400] =	vst v63  }
0x29: {  	_ =	swait.ge [sflag:s31], $0x8000  }
0x2a: {  	[sflag:s31] =	ssyncset.done $0x0  }
0x2b: {  	s5 =	simm.s32 $0x400;
	[sflag:s31] =	ssyncadd.s32 $0xFFFF8000  }
0x2c: {  	[tilespmem:s15], [sflag:$0x1] =	stream.indirect.gather [hbm4b:s4+s14], $0x40, s5, s14, $0xb8;
	[tilespmem:$0x16400] =	vst v63  }
0x2d: {  	s12 =	simm.s32 $0x480  }
0x2e: {  	[tilespmem:s16], [sflag:$0x1] =	stream.indirect.gather [hbm4b:s4+s14], $0x40, s12, s14, $0xb8;
	[tilespmem:$0x16400] =	vst v63  }
0x2f: {  	s19 =	simm.s32 $0x500  }
0x30: {  	[tilespmem:s18], [sflag:$0x1] =	stream.indirect.gather [hbm4b:s4+s14], $0x40, s19, s14, $0xb8;
	[tilespmem:$0x16400] =	vst v63  }
0x31: {  	s25 =	simm.s32 $0x580  }
0x32: {  	[tilespmem:s20], [sflag:$0x1] =	stream.indirect.gather [hbm4b:s4+s14], $0x40, s25, s14, $0xb8;
	[tilespmem:$0x16400] =	vst v63  }
0x33: {  	_ =	swait.ge [sflag:s21], $0x8000  }
0x34: {  	[sflag:s21] =	ssyncset.done $0x0  }
0x35: {  	[sflag:s21] =	ssyncadd.s32 $0xFFFF8000  }
0x36: {  	[hbm4b:s8+s3] =	stream.linear.scatter [tilespmem:s22], [sflag:$0x4], $0x8000, $0x38;
	[tilespmem:$0x16400] =	vst v63  }
0x37: {  	_ =	swait.ge [sflag:s23], $0x8000  }
0x38: {  	[sflag:s23] =	ssyncset.done $0x0  }
0x39: {  	s12 =	simm.s32 $0x600;
	[sflag:s23] =	ssyncadd.s32 $0xFFFF8000  }
0x3a: {  	[tilespmem:s22], [sflag:$0x2] =	stream.indirect.gather [hbm4b:s4+s14], $0x40, s12, s14, $0xb8;
	[tilespmem:$0x16400] =	vst v63  }
0x3b: {  	s0 =	simm.s32 $0x680  }
0x3c: {  	[tilespmem:s24], [sflag:$0x2] =	stream.indirect.gather [hbm4b:s4+s14], $0x40, s0, s14, $0xb8;
	[tilespmem:$0x16400] =	vst v63  }
0x3d: {  	s5 =	simm.s32 $0x700  }
0x3e: {  	[tilespmem:s26], [sflag:$0x2] =	stream.indirect.gather [hbm4b:s4+s14], $0x40, s5, s14, $0xb8;
	[tilespmem:$0x16400] =	vst v63  }
0x3f: {  	s19 =	simm.s32 $0x780  }
0x40: {  	[tilespmem:s29], [sflag:$0x2] =	stream.indirect.gather [hbm4b:s4+s14], $0x40, s19, s14, $0xb8;
	[tilespmem:$0x16400] =	vst v63  }
0x41: {  	_ =	swait.ge [sflag:s30], $0x8000  }
0x42: {  	s25 =	sshrl.u32 s11, $0x3;
	[sflag:s30] =	ssyncset.done $0x0  }
0x43: {  	s12 =	sadd.s32 s2, s25;
	[sflag:s30] =	ssyncadd.s32 $0xFFFF8000  }
0x44: {  	[hbm4b:s12+s3] =	stream.linear.scatter [tilespmem:s15], [sflag:$0x3], $0x8000, $0x38;
	[tilespmem:$0x16400] =	vst v63  }
0x45: {  	_ =	swait.ge [sflag:s31], $0x8000  }
0x46: {  	[sflag:s31] =	ssyncset.done $0x0  }
0x47: {  	s0 =	simm.s32 $0x800;
	[sflag:s31] =	ssyncadd.s32 $0xFFFF8000  }
0x48: {  	[tilespmem:s15], [sflag:$0x1] =	stream.indirect.gather [hbm4b:s4+s14], $0x40, s0, s14, $0xb8;
	[tilespmem:$0x16400] =	vst v63  }
0x49: {  	s5 =	simm.s32 $0x880  }
0x4a: {  	[tilespmem:s16], [sflag:$0x1] =	stream.indirect.gather [hbm4b:s4+s14], $0x40, s5, s14, $0xb8;
	[tilespmem:$0x16400] =	vst v63  }
0x4b: {  	s19 =	simm.s32 $0x900  }
0x4c: {  	[tilespmem:s18], [sflag:$0x1] =	stream.indirect.gather [hbm4b:s4+s14], $0x40, s19, s14, $0xb8;
	[tilespmem:$0x16400] =	vst v63  }
0x4d: {  	s25 =	simm.s32 $0x980  }
0x4e: {  	[tilespmem:s20], [sflag:$0x1] =	stream.indirect.gather [hbm4b:s4+s14], $0x40, s25, s14, $0xb8;
	[tilespmem:$0x16400] =	vst v63  }
0x4f: {  	_ =	swait.ge [sflag:s21], $0x8000  }
0x50: {  	s28 =	sadd.s32 $0x2000, s1;
	s12 =	smov.u32 s1;
	[sflag:s21] =	ssyncset.done $0x0  }
0x51: {  	s19 =	simm.s32 $0x1000;
	s25 =	sadd.s32 $0x10000, s11;
	[sflag:s21] =	ssyncadd.s32 $0xFFFF8000  }
.LBB2_2:
0x52: {  	[hbm4b:s12+s3] =	stream.linear.scatter [tilespmem:s22], [sflag:$0x4], $0x8000, $0x38;
	[tilespmem:$0x16400] =	vst v63  }
0x53: {  	s0 =	smov.u32 s19;
	s12 =	smov.u32 s28  }
0x54: {  	p0 =	sne.s32 s19, $0x16000;
	s19 =	sadd.s32 $0x1000, s19;
	_ =	swait.ge [sflag:s23], $0x8000  }
0x55: {  	s0 =	sshra.s32 s0, $0x2;
	[sflag:s23] =	ssyncset.done $0x0  }
0x56: {  	s5 =	sadd.s32 $0x600, s0;
	[sflag:s23] =	ssyncadd.s32 $0xFFFF8000  }
0x57: {  	[tilespmem:s22], [sflag:$0x2] =	stream.indirect.gather [hbm4b:s4+s14], $0x40, s5, s14, $0xb8;
	[tilespmem:$0x16400] =	vst v63  }
0x58: {  	s5 =	sadd.s32 $0x680, s0  }
0x59: {  	[tilespmem:s24], [sflag:$0x2] =	stream.indirect.gather [hbm4b:s4+s14], $0x40, s5, s14, $0xb8;
	[tilespmem:$0x16400] =	vst v63  }
0x5a: {  	s5 =	sadd.s32 $0x700, s0  }
0x5b: {  	[tilespmem:s26], [sflag:$0x2] =	stream.indirect.gather [hbm4b:s4+s14], $0x40, s5, s14, $0xb8;
	[tilespmem:$0x16400] =	vst v63  }
0x5c: {  	s5 =	sadd.s32 $0x780, s0  }
0x5d: {  	[tilespmem:s29], [sflag:$0x2] =	stream.indirect.gather [hbm4b:s4+s14], $0x40, s5, s14, $0xb8;
	[tilespmem:$0x16400] =	vst v63  }
0x5e: {  	_ =	swait.ge [sflag:s30], $0x8000  }
0x5f: {  	s5 =	sshrl.u32 s25, $0x3;
	[sflag:s30] =	ssyncset.done $0x0  }
0x60: {  	s5 =	sadd.s32 s2, s5;
	[sflag:s30] =	ssyncadd.s32 $0xFFFF8000  }
0x61: {  	[hbm4b:s5+s3] =	stream.linear.scatter [tilespmem:s15], [sflag:$0x3], $0x8000, $0x38;
	[tilespmem:$0x16400] =	vst v63  }
0x62: {  	_ =	swait.ge [sflag:s31], $0x8000  }
0x63: {  	[sflag:s31] =	ssyncset.done $0x0  }
0x64: {  	s5 =	sadd.s32 $0x800, s0;
	[sflag:s31] =	ssyncadd.s32 $0xFFFF8000  }
0x65: {  	[tilespmem:s15], [sflag:$0x1] =	stream.indirect.gather [hbm4b:s4+s14], $0x40, s5, s14, $0xb8;
	[tilespmem:$0x16400] =	vst v63  }
0x66: {  	s5 =	sadd.s32 $0x880, s0  }
0x67: {  	[tilespmem:s16], [sflag:$0x1] =	stream.indirect.gather [hbm4b:s4+s14], $0x40, s5, s14, $0xb8;
	[tilespmem:$0x16400] =	vst v63  }
0x68: {  	s5 =	sadd.s32 $0x900, s0  }
0x69: {  	[tilespmem:s18], [sflag:$0x1] =	stream.indirect.gather [hbm4b:s4+s14], $0x40, s5, s14, $0xb8;
	[tilespmem:$0x16400] =	vst v63  }
.Ltmp0:
0x6a: {  	s0 =	sadd.s32 $0x980, s0;
	(pc) =	sbr.rel @p0 .LBB2_2-.Ltmp0, $4  }
0x6b: {  	[tilespmem:s20], [sflag:$0x1] =	stream.indirect.gather [hbm4b:s4+s14], $0x40, s0, s14, $0xb8;
	[tilespmem:$0x16400] =	vst v63  }
0x6c: {  	_ =	swait.ge [sflag:s21], $0x8000  }
0x6d: {  	[sflag:s21] =	ssyncset.done $0x0  }
0x6e: {  	s28 =	sadd.s32 $0x2000, s28;
	s25 =	sadd.s32 $0x10000, s25;
	[sflag:s21] =	ssyncadd.s32 $0xFFFF8000  }
0x6f: {  	[hbm4b:s12+s3] =	stream.linear.scatter [tilespmem:s22], [sflag:$0x4], $0x8000, $0x38;
	[tilespmem:$0x16400] =	vst v63  }
0x70: {  	_ =	swait.ge [sflag:s23], $0x8000  }
0x71: {  	[sflag:s23] =	ssyncset.done $0x0  }
0x72: {  	s0 =	simm.s32 $0x6200;
	[sflag:s23] =	ssyncadd.s32 $0xFFFF8000  }
0x73: {  	[tilespmem:s22], [sflag:$0x2] =	stream.indirect.gather [hbm4b:s4+s14], $0x40, s0, s14, $0xb8;
	[tilespmem:$0x16400] =	vst v63  }
0x74: {  	s19 =	simm.s32 $0x6280  }
0x75: {  	[tilespmem:s24], [sflag:$0x2] =	stream.indirect.gather [hbm4b:s4+s14], $0x40, s19, s14, $0xb8;
	[tilespmem:$0x16400] =	vst v63  }
0x76: {  	s25 =	simm.s32 $0x6300  }
0x77: {  	[tilespmem:s26], [sflag:$0x2] =	stream.indirect.gather [hbm4b:s4+s14], $0x40, s25, s14, $0xb8;
	[tilespmem:$0x16400] =	vst v63  }
0x78: {  	s28 =	simm.s32 $0x6380  }
0x79: {  	[tilespmem:s29], [sflag:$0x2] =	stream.indirect.gather [hbm4b:s4+s14], $0x40, s28, s14, $0xb8;
	[tilespmem:$0x16400] =	vst v63  }
0x7a: {  	_ =	swait.ge [sflag:s30], $0x8000  }
0x7b: {  	[sflag:s30] =	ssyncset.done $0x0  }
0x7c: {  	[sflag:s30] =	ssyncadd.s32 $0xFFFF8000  }
0x7d: {  	[hbm4b:s9+s3] =	stream.linear.scatter [tilespmem:s15], [sflag:$0x3], $0x8000, $0x38;
	[tilespmem:$0x16400] =	vst v63  }
0x7e: {  	_ =	swait.ge [sflag:s21], $0x8000  }
0x7f: {  	[sflag:s21] =	ssyncset.done $0x0  }
0x80: {  	s17 =	sadd.s32 $0x1, s17;
	[sflag:s21] =	ssyncadd.s32 $0xFFFF8000  }
0x81: {  	[hbm4b:s10+s3] =	stream.linear.scatter [tilespmem:s22], [sflag:$0x4], $0x8000, $0x38;
	[tilespmem:$0x16400] =	vst v63  }
0x82: {  	p0 =	sne.s32 s17, s6;
	_ =	swait.ge [sflag:s31], $0x8000  }
.Ltmp1:
0x83: {  	[sflag:s31] =	ssyncset.done $0x0;
	(pc) =	sbr.rel @p0 .LBB2_1-.Ltmp1, $4  }
0x84: {  	[sflag:s31] =	ssyncadd.s32 $0xFFFF8000  }
0x85: {  	_ =	swait.ge [sflag:s23], $0x8000  }
0x86: {  	[sflag:s23] =	ssyncset.done $0x0  }
0x87: {  	[sflag:s23] =	ssyncadd.s32 $0xFFFF8000  }
0x88: {  	_ =	sfence.sel $0x180000  }
0x89: {  	[bflag:$0x0] =	sbarrier.arrive $0xFFFF  }
0x8a: {  	_ =	strace $0x90000047  }
0x8b: {  	s0 =	stileid.u32;
	[bflag:$0x2] =	sbarrier.arrive $0xFFFF  }
0x8c: {  	p0 =	sne.s32 s0, $0x0;
	s0 =	rddreg [dreg:$0x2]  }
0x8d: {  	s0 =	sadd.s32 @!p0 $0x100000, s0  }
0x8e: {  	[sflag:s0] =	ssyncadd.tile.s32 @!p0 $0x1;
	_ =	shalt  }
.Lfunc_end2:
_tile_overlayer_lowered:
.L_overlay_start_2:
0x8f: {  	(tag) =	ssettag $0x2  }
0x90: {  	s0 =	rddreg [dreg:$0x0];
	s2 =	stileid.u32  }
0x91: {  	s1 =	rddreg [dreg:$0x1];
	p0 =	sne.s32 s2, $0x0  }
0x92: {  	s3 =	rddreg [dreg:$0x2];
	[bflag:$0x3] =	sbarrier.arrive $0xFFFF;
	s2 =	simm.s32 @!p0 $0x1C05  }
0x93: {  	[timem:s3], [sflag:s2] =	dma.local @!p0 [hbm:s0], s1  }
0x94: {  	s0 =	simm.s32 @!p0 $0x5  }
0x95: {  	_ =	swait.ge @!p0 [sflag:s0], s1  }
0x96: {  	s1 =	ssub.s32 @!p0 $0x0, s1;
	[sflag:s0] =	ssyncset.done @!p0 $0x0  }
0x97: {  	[sflag:s0] =	ssyncadd.s32 @!p0 s1  }
0x98: {  	[bflag:$0x3] =	sbarrier.arrive $0xFFFF  }
0x99: {  	_ =	shalt  }

</sc_bundles>
